<compile_context>
chip_gen: v7x
topology: tpu7x:2x2x1
jax: 0.10.2.dev20260603
libtpu: 0.0.44.dev20260713+nightly
codegen_flags: <defaults>
</compile_context>

<pallas_src>
import math

import jax
import jax.numpy as jnp
from jax import lax
from jax.experimental import pallas as pl
from jax.experimental.pallas import tpu as pltpu
from jax.experimental.pallas import tpu_sc as plsc

EMB = 128
NUM_RADIAL = 6
CUTOFF = 5.0
N_NODES = 10000
N_EDGES = 320000
T_PAD = 128

_NC, _NS = 2, 16
_NW = _NC * _NS
_EDGES_PER_W = N_EDGES // _NW
_CHUNK = 2000


def _zgather_body(z_hbm, src_hbm, dst_hbm, zsrc_hbm, zdst_hbm,
                  z_v, si_v, di_v, so_v, do_v, sem_z, sem_s, sem_d):
    wid = lax.axis_index("s") * _NC + lax.axis_index("c")
    base = wid * _EDGES_PER_W
    cz = pltpu.make_async_copy(z_hbm, z_v, sem_z)
    cs = pltpu.make_async_copy(src_hbm.at[pl.ds(base, _EDGES_PER_W)], si_v,
                               sem_s)
    cd = pltpu.make_async_copy(dst_hbm.at[pl.ds(base, _EDGES_PER_W)], di_v,
                               sem_d)
    cz.start()
    cs.start()
    cd.start()
    cz.wait()
    cs.wait()
    cd.wait()

    @plsc.parallel_loop(0, _EDGES_PER_W, 16, unroll=8)
    def _grp(i):
        sl = pl.ds(i, 16)
        so_v[sl] = plsc.load_gather(z_v, [si_v[sl]])
        do_v[sl] = plsc.load_gather(z_v, [di_v[sl]])
    co = pltpu.make_async_copy(so_v, zsrc_hbm.at[pl.ds(base, _EDGES_PER_W)],
                               sem_s)
    cp = pltpu.make_async_copy(do_v, zdst_hbm.at[pl.ds(base, _EDGES_PER_W)],
                               sem_d)
    co.start()
    cp.start()
    co.wait()
    cp.wait()


def _sc_zgather(Z, src, dst):
    mesh = plsc.VectorSubcoreMesh(core_axis_name="c", subcore_axis_name="s")
    kern = pl.kernel(
        _zgather_body,
        mesh=mesh,
        compiler_params=pltpu.CompilerParams(needs_layout_passes=False),
        out_type=(
            jax.ShapeDtypeStruct((N_EDGES,), jnp.int32),
            jax.ShapeDtypeStruct((N_EDGES,), jnp.int32),
        ),
        scratch_types=[
            pltpu.VMEM((N_NODES,), jnp.int32),
            pltpu.VMEM((_EDGES_PER_W,), jnp.int32),
            pltpu.VMEM((_EDGES_PER_W,), jnp.int32),
            pltpu.VMEM((_EDGES_PER_W,), jnp.int32),
            pltpu.VMEM((_EDGES_PER_W,), jnp.int32),
            pltpu.SemaphoreType.DMA,
            pltpu.SemaphoreType.DMA,
            pltpu.SemaphoreType.DMA,
        ],
    )
    return kern(Z, src, dst)


def _prep_body(emb_ref, wd_ref, wr_ref, br_ref, bd_ref,
               t1_ref, t2_ref, wc_ref, bc_ref):
    emb = emb_ref[...]
    w1 = wd_ref[:, 0:EMB]
    w2 = wd_ref[:, EMB:2 * EMB]
    w3 = wd_ref[:, 2 * EMB:3 * EMB]
    dn = (((1,), (1,)), ((), ()))
    t1_ref[...] = lax.dot_general(emb, w1, dn,
                                  preferred_element_type=jnp.float32,
                                  precision=lax.Precision.HIGHEST
                                  ).astype(jnp.bfloat16)
    t2_ref[...] = lax.dot_general(emb, w2, dn,
                                  preferred_element_type=jnp.float32,
                                  precision=lax.Precision.HIGHEST
                                  ).astype(jnp.bfloat16)
    wc_ref[...] = lax.dot_general(wr_ref[...], w3, (((0,), (1,)), ((), ())),
                                  preferred_element_type=jnp.float32,
                                  precision=lax.Precision.HIGHEST)
    bc_ref[...] = lax.dot_general(br_ref[...], w3, (((1,), (1,)), ((), ())),
                                  preferred_element_type=jnp.float32,
                                  precision=lax.Precision.HIGHEST) + bd_ref[...]


def _tc_prep(emb_pad, W_dense, W_rbf, b_rbf2, b_dense2):
    return pl.pallas_call(
        _prep_body,
        out_shape=(
            jax.ShapeDtypeStruct((T_PAD, EMB), jnp.bfloat16),
            jax.ShapeDtypeStruct((T_PAD, EMB), jnp.bfloat16),
            jax.ShapeDtypeStruct((NUM_RADIAL, EMB), jnp.float32),
            jax.ShapeDtypeStruct((1, EMB), jnp.float32),
        ),
    )(emb_pad, W_dense, W_rbf, b_rbf2, b_dense2)


_NODE_BLK = 1000


def _h_body(z_ref, emb_ref, h_ref):
    z = z_ref[0]
    tt = lax.broadcasted_iota(jnp.int32, (T_PAD, _NODE_BLK), 0)
    oh = (tt == z).astype(jnp.float32)
    h_ref[...] = lax.dot_general(oh, emb_ref[...], (((0,), (0,)), ((), ())),
                                 preferred_element_type=jnp.float32,
                                 precision=lax.Precision.HIGHEST)


def _tc_h(Z3, emb_pad):
    grid = N_NODES // _NODE_BLK
    return pl.pallas_call(
        _h_body,
        grid=(grid,),
        in_specs=[
            pl.BlockSpec((1, 1, _NODE_BLK), lambda i: (i, 0, 0)),
            pl.BlockSpec((T_PAD, EMB), lambda i: (0, 0)),
        ],
        out_specs=pl.BlockSpec((_NODE_BLK, EMB), lambda i: (i, 0)),
        out_shape=jax.ShapeDtypeStruct((N_NODES, EMB), jnp.float32),
    )(Z3, emb_pad)


_EDGE_BLK = 12800
_ENV_P = 6


def _edge_body(zs_ref, zd_ref, rbfT_ref, d_ref, t1_ref, t2_ref, wc_ref, bc_ref,
               m_ref, envT_ref):
    tt = lax.broadcasted_iota(jnp.int32, (T_PAD, _EDGE_BLK), 0)
    dnT = (((0,), (0,)), ((), ()))
    oh_s = (tt == zs_ref[0]).astype(jnp.bfloat16)
    acc = lax.dot_general(oh_s, t1_ref[...], dnT,
                          preferred_element_type=jnp.float32)
    oh_d = (tt == zd_ref[0]).astype(jnp.bfloat16)
    acc = acc + lax.dot_general(oh_d, t2_ref[...], dnT,
                                preferred_element_type=jnp.float32)
    acc = acc + lax.dot_general(rbfT_ref[...], wc_ref[...], dnT,
                                preferred_element_type=jnp.float32)
    m_ref[...] = acc + bc_ref[...]

    x = d_ref[0] * (1.0 / CUTOFF)
    inv = 1.0 / x
    p = _ENV_P
    a = -(p + 1) * (p + 2) / 2.0
    b = p * (p + 2)
    c = -p * (p + 1) / 2.0
    x2 = x * x
    x4 = x2 * x2
    xp0 = x4 * x
    env = inv + xp0 * (a + x * (b + c * x))
    coef = env * inv * math.sqrt(2.0 / CUTOFF)
    theta = x * math.pi
    s1 = jnp.sin(theta)
    two_c = 2.0 * jnp.cos(theta)
    rows = [s1, two_c * s1]
    for _ in range(NUM_RADIAL - 2):
        rows.append(two_c * rows[-1] - rows[-2])
    envT_ref[...] = coef * jnp.concatenate(rows, axis=0)


def _tc_edge(zsrc3, zdst3, rbfT, d3, t1, t2, wc, bc):
    grid = N_EDGES // _EDGE_BLK
    return pl.pallas_call(
        _edge_body,
        grid=(grid,),
        in_specs=[
            pl.BlockSpec((1, 1, _EDGE_BLK), lambda i: (i, 0, 0)),
            pl.BlockSpec((1, 1, _EDGE_BLK), lambda i: (i, 0, 0)),
            pl.BlockSpec((NUM_RADIAL, _EDGE_BLK), lambda i: (0, i)),
            pl.BlockSpec((1, 1, _EDGE_BLK), lambda i: (i, 0, 0)),
            pl.BlockSpec((T_PAD, EMB), lambda i: (0, 0)),
            pl.BlockSpec((T_PAD, EMB), lambda i: (0, 0)),
            pl.BlockSpec((NUM_RADIAL, EMB), lambda i: (0, 0)),
            pl.BlockSpec((1, EMB), lambda i: (0, 0)),
        ],
        out_specs=(
            pl.BlockSpec((_EDGE_BLK, EMB), lambda i: (i, 0)),
            pl.BlockSpec((NUM_RADIAL, _EDGE_BLK), lambda i: (0, i)),
        ),
        out_shape=(
            jax.ShapeDtypeStruct((N_EDGES, EMB), jnp.float32),
            jax.ShapeDtypeStruct((NUM_RADIAL, N_EDGES), jnp.float32),
        ),
    )(zsrc3, zdst3, rbfT, d3, t1, t2, wc, bc)


def kernel(Z, edge_index, rbf, d, emb_table, W_rbf, b_rbf, W_dense, b_dense):
    Z = Z.astype(jnp.int32)
    src = edge_index[0].astype(jnp.int32)
    dst = edge_index[1].astype(jnp.int32)

    emb_pad = jnp.zeros((T_PAD, EMB), jnp.float32).at[:emb_table.shape[0]].set(
        emb_table)
    b_rbf2 = b_rbf.reshape(1, EMB)
    b_dense2 = b_dense.reshape(1, EMB)

    zsrc, zdst = _sc_zgather(Z, src, dst)

    t1, t2, wc, bc = _tc_prep(emb_pad, W_dense, W_rbf, b_rbf2, b_dense2)
    h = _tc_h(Z.reshape(N_NODES // _NODE_BLK, 1, _NODE_BLK), emb_pad)
    g = N_EDGES // _EDGE_BLK
    m, rbf_envT = _tc_edge(zsrc.reshape(g, 1, _EDGE_BLK),
                           zdst.reshape(g, 1, _EDGE_BLK),
                           rbf.T, d.reshape(g, 1, _EDGE_BLK), t1, t2, wc, bc)
    return h, m, rbf_envT.T

# --- scband reference (transcript-rebuilt; emitter-appended) ---
"""Pipeline reference for scband-embedding-layer-64450279244312 (READ-ONLY COPY).

The authoritative reference and input builder live on the scoring server;
editing this copy changes nothing except your own understanding.
"""

import jax, jax.numpy as jnp
import numpy as np

EMB_SIZE = 128
NUM_RADIAL = 6
CUTOFF = 5.0
ENV_EXP = 5
NUM_ATOM_TYPES = 95
N_NODES = 10000
N_EDGES = 320000


def _envelope(x):
    p = ENV_EXP + 1
    a = -(p + 1) * (p + 2) / 2.0
    b = p * (p + 2)
    c = -p * (p + 1) / 2.0
    x_p_0 = x ** (p - 1)
    x_p_1 = x_p_0 * x
    x_p_2 = x_p_1 * x
    return 1.0 / x + a * x_p_0 + b * x_p_1 + c * x_p_2


def _bessel(x, n):
    # spherical Bessel basis function n evaluated on scaled distance x in (0, 1]
    return jnp.sqrt(2.0 / CUTOFF) * jnp.sin((n + 1) * jnp.pi * x) / x


def setup_inputs(seed: int = 0) -> dict:
    key = jax.random.key(seed)
    ks = jax.random.split(key, 8)
    Z = jax.random.randint(ks[0], (N_NODES,), 0, NUM_ATOM_TYPES)
    edge_index = jax.random.randint(ks[1], (2, N_EDGES), 0, N_NODES)
    rbf = jax.random.normal(ks[2], (N_EDGES, NUM_RADIAL), dtype=jnp.float32)
    # distances strictly positive to avoid 1/x singularity in envelope/bessel
    d = jax.random.uniform(ks[3], (N_EDGES,), minval=0.5, maxval=CUTOFF, dtype=jnp.float32)
    emb_table = jax.random.uniform(ks[4], (NUM_ATOM_TYPES, EMB_SIZE), minval=-np.sqrt(3.0), maxval=np.sqrt(3.0), dtype=jnp.float32)
    W_rbf = jax.random.normal(ks[5], (EMB_SIZE, NUM_RADIAL), dtype=jnp.float32) / np.sqrt(NUM_RADIAL)
    b_rbf = jnp.zeros((EMB_SIZE,), dtype=jnp.float32)
    W_dense = jax.random.normal(ks[6], (EMB_SIZE, 3 * EMB_SIZE), dtype=jnp.float32) / np.sqrt(3 * EMB_SIZE)
    b_dense = jnp.zeros((EMB_SIZE,), dtype=jnp.float32)
    return {"Z": Z, "edge_index": edge_index, "rbf": rbf, "d": d,
            "emb_table": emb_table, "W_rbf": W_rbf, "b_rbf": b_rbf,
            "W_dense": W_dense, "b_dense": b_dense}


def reference(Z, edge_index, rbf, d, emb_table, W_rbf, b_rbf, W_dense, b_dense):
    # g.ndata['h'] = embedding(Z)
    h = jnp.take(emb_table, Z, axis=0)  # [N, emb]
    src = edge_index[0]
    dst = edge_index[1]
    # edge_init
    rbf_p = rbf @ W_rbf.T + b_rbf  # dense_rbf, activation=None
    m_in = jnp.concatenate([jnp.take(h, src, axis=0), jnp.take(h, dst, axis=0), rbf_p], axis=-1)
    m = m_in @ W_dense.T + b_dense  # dense, activation=None
    d_scaled = d / CUTOFF
    rbf_env = jnp.stack([_bessel(d_scaled, n) for n in range(NUM_RADIAL)], axis=1)
    d_cutoff = _envelope(d_scaled)
    rbf_env = d_cutoff[:, None] * rbf_env
    return h, m, rbf_env

if __name__ == "__main__":
    import jax
    _d = setup_inputs()
    print(jax.jit(kernel)(*tuple(_d.values())))

</pallas_src>

<mosaic_0001>
#map = affine_map<(d0, d1) -> (0)>
module attributes {stable_mosaic.version = 14 : i64} {
  func.func @_zgather_body(%arg0: i32, %arg1: i32, %arg2: memref<10000xi32, #tpu.memory_space<hbm>>, %arg3: memref<320000xi32, #tpu.memory_space<hbm>>, %arg4: memref<320000xi32, #tpu.memory_space<hbm>>, %arg5: memref<320000xi32, #tpu.memory_space<hbm>>, %arg6: memref<320000xi32, #tpu.memory_space<hbm>>, %arg7: memref<10000xi32, #tpu.memory_space<vmem>>, %arg8: memref<10000xi32, #tpu.memory_space<vmem>>, %arg9: memref<10000xi32, #tpu.memory_space<vmem>>, %arg10: memref<10000xi32, #tpu.memory_space<vmem>>, %arg11: memref<10000xi32, #tpu.memory_space<vmem>>, %arg12: memref<!tpu.dma_semaphore, #tpu.memory_space<semaphore_mem>>, %arg13: memref<!tpu.dma_semaphore, #tpu.memory_space<semaphore_mem>>, %arg14: memref<!tpu.dma_semaphore, #tpu.memory_space<semaphore_mem>>) attributes {dimension_semantics = [#tpu.dimension_semantics<core_parallel>, #tpu.dimension_semantics<subcore_parallel>], iteration_bounds = array<i64: 2, 16>, scalar_prefetch = 0 : i64, scratch_operands = 8 : i64, tpu.core_type = #tpu.core_type<sc_vector_subcore>, window_params = [{transform_indices = #map}, {transform_indices = #map}, {transform_indices = #map}, {transform_indices = #map}, {transform_indices = #map}]} {
    %mul3A = arith.constant 2 : i32
    %mul3A_0 = arith.muli %arg1, %mul3A : i32
    %add3A = arith.addi %mul3A_0, %arg0 : i32
    %mul3A_1 = arith.constant 10000 : i32
    %mul3A_2 = arith.muli %add3A, %mul3A_1 : i32
    tpu.enqueue_dma source(%arg2 : memref<10000xi32, #tpu.memory_space<hbm>>) target(%arg7 : memref<10000xi32, #tpu.memory_space<vmem>>) target_semaphore(%arg12 : memref<!tpu.dma_semaphore, #tpu.memory_space<semaphore_mem>>)
    %dma_start3A = tpu.memref_slice %arg3[%mul3A_2] : memref<320000xi32, #tpu.memory_space<hbm>> -> memref<10000xi32, #tpu.memory_space<hbm>>
    %dma_start3A_3 = tpu.memref_slice %arg3[%mul3A_2] : memref<320000xi32, #tpu.memory_space<hbm>> -> memref<10000xi32, #tpu.memory_space<hbm>>
    tpu.enqueue_dma source(%dma_start3A_3 : memref<10000xi32, #tpu.memory_space<hbm>>) target(%arg8 : memref<10000xi32, #tpu.memory_space<vmem>>) target_semaphore(%arg13 : memref<!tpu.dma_semaphore, #tpu.memory_space<semaphore_mem>>)
    %dma_start3A_4 = tpu.memref_slice %arg4[%mul3A_2] : memref<320000xi32, #tpu.memory_space<hbm>> -> memref<10000xi32, #tpu.memory_space<hbm>>
    %dma_start3A_5 = tpu.memref_slice %arg4[%mul3A_2] : memref<320000xi32, #tpu.memory_space<hbm>> -> memref<10000xi32, #tpu.memory_space<hbm>>
    tpu.enqueue_dma source(%dma_start3A_5 : memref<10000xi32, #tpu.memory_space<hbm>>) target(%arg9 : memref<10000xi32, #tpu.memory_space<vmem>>) target_semaphore(%arg14 : memref<!tpu.dma_semaphore, #tpu.memory_space<semaphore_mem>>)
    tpu.wait_dma2 semaphore(%arg12 : memref<!tpu.dma_semaphore, #tpu.memory_space<semaphore_mem>>) src(%arg2 : memref<10000xi32, #tpu.memory_space<hbm>>) dst(%arg7 : memref<10000xi32, #tpu.memory_space<vmem>>)
    %dma_wait3A = tpu.memref_slice %arg3[%mul3A_2] : memref<320000xi32, #tpu.memory_space<hbm>> -> memref<10000xi32, #tpu.memory_space<hbm>>
    %dma_wait3A_6 = tpu.memref_slice %arg3[%mul3A_2] : memref<320000xi32, #tpu.memory_space<hbm>> -> memref<10000xi32, #tpu.memory_space<hbm>>
    tpu.wait_dma2 semaphore(%arg13 : memref<!tpu.dma_semaphore, #tpu.memory_space<semaphore_mem>>) src(%dma_wait3A_6 : memref<10000xi32, #tpu.memory_space<hbm>>) dst(%arg8 : memref<10000xi32, #tpu.memory_space<vmem>>)
    %dma_wait3A_7 = tpu.memref_slice %arg4[%mul3A_2] : memref<320000xi32, #tpu.memory_space<hbm>> -> memref<10000xi32, #tpu.memory_space<hbm>>
    %dma_wait3A_8 = tpu.memref_slice %arg4[%mul3A_2] : memref<320000xi32, #tpu.memory_space<hbm>> -> memref<10000xi32, #tpu.memory_space<hbm>>
    tpu.wait_dma2 semaphore(%arg14 : memref<!tpu.dma_semaphore, #tpu.memory_space<semaphore_mem>>) src(%dma_wait3A_8 : memref<10000xi32, #tpu.memory_space<hbm>>) dst(%arg9 : memref<10000xi32, #tpu.memory_space<vmem>>)
    %parallel_loop3A = arith.constant 0 : i32
    %parallel_loop3A_9 = arith.constant 10000 : i32
    %parallel_loop3A_10 = arith.constant 16 : i32
    scf.for %parallel_loop3A_19 = %parallel_loop3A to %parallel_loop3A_9 step %parallel_loop3A_10  : i32 {
      %parallel_loop3A_20 = arith.index_cast %parallel_loop3A_19 : i32 to index
      %parallel_loop3A_21 = tpu.vector_load %arg8[%parallel_loop3A_20] {strides = array<i32>} : memref<10000xi32, #tpu.memory_space<vmem>>, vector<16xi32>,
      %parallel_loop3A_22 = tpu.vector_load_idx %arg7[%parallel_loop3A_21] : memref<10000xi32, #tpu.memory_space<vmem>>[vector<16xi32>], vector<16xi32>,
      %parallel_loop3A_23 = arith.index_cast %parallel_loop3A_19 : i32 to index
      %parallel_loop3A_24 = tpu.vector_load %arg10[%parallel_loop3A_23] {strides = array<i32>} : memref<10000xi32, #tpu.memory_space<vmem>>, vector<16xi32>,
      tpu.vector_store %arg10[%parallel_loop3A_23], %parallel_loop3A_22 {strides = array<i32>} : memref<10000xi32, #tpu.memory_space<vmem>>, vector<16xi32>,
      %parallel_loop3A_25 = arith.index_cast %parallel_loop3A_19 : i32 to index
      %parallel_loop3A_26 = tpu.vector_load %arg9[%parallel_loop3A_25] {strides = array<i32>} : memref<10000xi32, #tpu.memory_space<vmem>>, vector<16xi32>,
      %parallel_loop3A_27 = tpu.vector_load_idx %arg7[%parallel_loop3A_26] : memref<10000xi32, #tpu.memory_space<vmem>>[vector<16xi32>], vector<16xi32>,
      %parallel_loop3A_28 = arith.index_cast %parallel_loop3A_19 : i32 to index
      %parallel_loop3A_29 = tpu.vector_load %arg11[%parallel_loop3A_28] {strides = array<i32>} : memref<10000xi32, #tpu.memory_space<vmem>>, vector<16xi32>,
      tpu.vector_store %arg11[%parallel_loop3A_28], %parallel_loop3A_27 {strides = array<i32>} : memref<10000xi32, #tpu.memory_space<vmem>>, vector<16xi32>,
    } {sc.loop_unroll_factor = 8 : i64, sc.parallel_access}
    %dma_start3A_11 = tpu.memref_slice %arg5[%mul3A_2] : memref<320000xi32, #tpu.memory_space<hbm>> -> memref<10000xi32, #tpu.memory_space<hbm>>
    %dma_start3A_12 = tpu.memref_slice %arg5[%mul3A_2] : memref<320000xi32, #tpu.memory_space<hbm>> -> memref<10000xi32, #tpu.memory_space<hbm>>
    tpu.enqueue_dma source(%arg10 : memref<10000xi32, #tpu.memory_space<vmem>>) target(%dma_start3A_12 : memref<10000xi32, #tpu.memory_space<hbm>>) target_semaphore(%arg13 : memref<!tpu.dma_semaphore, #tpu.memory_space<semaphore_mem>>)
    %dma_start3A_13 = tpu.memref_slice %arg6[%mul3A_2] : memref<320000xi32, #tpu.memory_space<hbm>> -> memref<10000xi32, #tpu.memory_space<hbm>>
    %dma_start3A_14 = tpu.memref_slice %arg6[%mul3A_2] : memref<320000xi32, #tpu.memory_space<hbm>> -> memref<10000xi32, #tpu.memory_space<hbm>>
    tpu.enqueue_dma source(%arg11 : memref<10000xi32, #tpu.memory_space<vmem>>) target(%dma_start3A_14 : memref<10000xi32, #tpu.memory_space<hbm>>) target_semaphore(%arg14 : memref<!tpu.dma_semaphore, #tpu.memory_space<semaphore_mem>>)
    %dma_wait3A_15 = tpu.memref_slice %arg5[%mul3A_2] : memref<320000xi32, #tpu.memory_space<hbm>> -> memref<10000xi32, #tpu.memory_space<hbm>>
    %dma_wait3A_16 = tpu.memref_slice %arg5[%mul3A_2] : memref<320000xi32, #tpu.memory_space<hbm>> -> memref<10000xi32, #tpu.memory_space<hbm>>
    tpu.wait_dma2 semaphore(%arg13 : memref<!tpu.dma_semaphore, #tpu.memory_space<semaphore_mem>>) src(%arg10 : memref<10000xi32, #tpu.memory_space<vmem>>) dst(%dma_wait3A_16 : memref<10000xi32, #tpu.memory_space<hbm>>)
    %dma_wait3A_17 = tpu.memref_slice %arg6[%mul3A_2] : memref<320000xi32, #tpu.memory_space<hbm>> -> memref<10000xi32, #tpu.memory_space<hbm>>
    %dma_wait3A_18 = tpu.memref_slice %arg6[%mul3A_2] : memref<320000xi32, #tpu.memory_space<hbm>> -> memref<10000xi32, #tpu.memory_space<hbm>>
    tpu.wait_dma2 semaphore(%arg14 : memref<!tpu.dma_semaphore, #tpu.memory_space<semaphore_mem>>) src(%arg11 : memref<10000xi32, #tpu.memory_space<vmem>>) dst(%dma_wait3A_18 : memref<10000xi32, #tpu.memory_space<hbm>>)
    return
  }
}

module attributes {stable_mosaic.version = 14 : i64} {
  func.func @_h_body(%arg0: i32, %arg1: memref<1x1x1000xi32, #tpu.memory_space<vmem>>, %arg2: memref<128x128xf32, #tpu.memory_space<vmem>>, %arg3: memref<1000x128xf32, #tpu.memory_space<vmem>>) attributes {dimension_semantics = [#tpu.dimension_semantics<arbitrary>], iteration_bounds = array<i64: 10>, scalar_prefetch = 0 : i64, scratch_operands = 0 : i64, tpu.core_type = #tpu.core_type<tc>, window_params = [{transform_indices = @transform_0, window_bounds = array<i64: 1, 1, 1000>}, {pipeline_mode = #tpu.pipeline_mode<synchronous>, transform_indices = @transform_1, window_bounds = array<i64: 128, 128>}, {transform_indices = @transform_2, window_bounds = array<i64: 1000, 128>}]} {
    %get3A = arith.constant 0 : index
    %get3A_0 = arith.constant 0 : index
    %get3A_1 = arith.constant 0 : index
    %get3A_2 = vector.load %arg1[%get3A, %get3A_0, %get3A_1] : memref<1x1x1000xi32, #tpu.memory_space<vmem>>, vector<1x1x1000xi32>
    %get3A_3 = vector.shape_cast %get3A_2 : vector<1x1x1000xi32> to vector<1x1000xi32>
    %iota3A = tpu.iota {dimensions = array<i32: 0>} : vector<128x1000xi32>
    %eq3A = vector.broadcast %get3A_3 : vector<1x1000xi32> to vector<128x1000xi32>
    %eq3A_4 = arith.cmpi eq, %iota3A, %eq3A : vector<128x1000xi32>
    %convert_element_type3A = arith.extui %eq3A_4 : vector<128x1000xi1> to vector<128x1000xi32>
    %convert_element_type3A_5 = arith.sitofp %convert_element_type3A : vector<128x1000xi32> to vector<128x1000xf32>
    %get3A_6 = arith.constant 0 : index
    %get3A_7 = arith.constant 0 : index
    %get3A_8 = vector.load %arg2[%get3A_6, %get3A_7] : memref<128x128xf32, #tpu.memory_space<vmem>>, vector<128x128xf32>
    %dot_general3A = arith.constant dense<0.000000e+00> : vector<1000x128xf32>
    %dot_general3A_9 = tpu.matmul %convert_element_type3A_5, %get3A_8, %dot_general3A {dimension_numbers = #tpu.dot_dimension_numbers<[0], [0], [1], [1], [0, 1, 1, 1], [], []>, precision = #tpu.contract_precision<fp32>, transpose_lhs_hint = false} : vector<128x1000xf32>, vector<128x128xf32>, vector<1000x128xf32> -> vector<1000x128xf32>
    %swap3A = arith.constant 0 : index
    %swap3A_10 = arith.constant 0 : index
    %swap3A_11 = vector.load %arg3[%swap3A, %swap3A_10] : memref<1000x128xf32, #tpu.memory_space<vmem>>, vector<1000x128xf32>
    tpu.vector_store %arg3[%swap3A, %swap3A_10], %dot_general3A_9 {strides = array<i32>} : memref<1000x128xf32, #tpu.memory_space<vmem>>, vector<1000x128xf32>,
    return
  }
  func.func @transform_0(%arg0: i32) -> (i32, i32, i32) {
    %c0_i32 = arith.constant 0 : i32
    %c0_i32_0 = arith.constant 0 : i32
    %c0_i32_1 = arith.constant 0 : i32
    return %arg0, %c0_i32, %c0_i32_0 : i32, i32, i32
  }
  func.func @transform_1(%arg0: i32) -> (i32, i32) {
    %c0_i32 = arith.constant 0 : i32
    %c0_i32_0 = arith.constant 0 : i32
    %c0_i32_1 = arith.constant 0 : i32
    return %c0_i32, %c0_i32_0 : i32, i32
  }
  func.func @transform_2(%arg0: i32) -> (i32, i32) {
    %c0_i32 = arith.constant 0 : i32
    %c0_i32_0 = arith.constant 0 : i32
    return %arg0, %c0_i32 : i32, i32
  }
}

module attributes {stable_mosaic.version = 14 : i64} {
  func.func @_prep_body(%arg0: memref<128x128xf32, #tpu.memory_space<vmem>>, %arg1: memref<128x384xf32, #tpu.memory_space<vmem>>, %arg2: memref<128x6xf32, #tpu.memory_space<vmem>>, %arg3: memref<1x128xf32, #tpu.memory_space<vmem>>, %arg4: memref<1x128xf32, #tpu.memory_space<vmem>>, %arg5: memref<128x128xbf16, #tpu.memory_space<vmem>>, %arg6: memref<128x128xbf16, #tpu.memory_space<vmem>>, %arg7: memref<6x128xf32, #tpu.memory_space<vmem>>, %arg8: memref<1x128xf32, #tpu.memory_space<vmem>>) attributes {dimension_semantics = [], scalar_prefetch = 0 : i64, scratch_operands = 0 : i64, tpu.core_type = #tpu.core_type<tc>} {
    %get3A = arith.constant 0 : index
    %get3A_0 = arith.constant 0 : index
    %get3A_1 = vector.load %arg0[%get3A, %get3A_0] : memref<128x128xf32, #tpu.memory_space<vmem>>, vector<128x128xf32>
    %get3A_2 = arith.constant 0 : index
    %get3A_3 = arith.constant 0 : index
    %get3A_4 = vector.load %arg1[%get3A_2, %get3A_3] : memref<128x384xf32, #tpu.memory_space<vmem>>, vector<128x128xf32>
    %get3A_5 = arith.constant 0 : index
    %get3A_6 = arith.constant 128 : index
    %get3A_7 = vector.load %arg1[%get3A_5, %get3A_6] : memref<128x384xf32, #tpu.memory_space<vmem>>, vector<128x128xf32>
    %get3A_8 = arith.constant 0 : index
    %get3A_9 = arith.constant 256 : index
    %get3A_10 = vector.load %arg1[%get3A_8, %get3A_9] : memref<128x384xf32, #tpu.memory_space<vmem>>, vector<128x128xf32>
    %dot_general3A = arith.constant dense<0.000000e+00> : vector<128x128xf32>
    %dot_general3A_11 = tpu.matmul %get3A_1, %get3A_4, %dot_general3A {dimension_numbers = #tpu.dot_dimension_numbers<[1], [1], [0], [0], [0, 0, 1, 0], [], []>, precision = #tpu.contract_precision<fp32>, transpose_lhs_hint = false} : vector<128x128xf32>, vector<128x128xf32>, vector<128x128xf32> -> vector<128x128xf32>
    %convert_element_type3A = arith.truncf %dot_general3A_11 : vector<128x128xf32> to vector<128x128xbf16>
    %swap3A = arith.constant 0 : index
    %swap3A_12 = arith.constant 0 : index
    %swap3A_13 = vector.load %arg5[%swap3A, %swap3A_12] : memref<128x128xbf16, #tpu.memory_space<vmem>>, vector<128x128xbf16>
    tpu.vector_store %arg5[%swap3A, %swap3A_12], %convert_element_type3A {strides = array<i32>} : memref<128x128xbf16, #tpu.memory_space<vmem>>, vector<128x128xbf16>,
    %dot_general3A_14 = arith.constant dense<0.000000e+00> : vector<128x128xf32>
    %dot_general3A_15 = tpu.matmul %get3A_1, %get3A_7, %dot_general3A_14 {dimension_numbers = #tpu.dot_dimension_numbers<[1], [1], [0], [0], [0, 0, 1, 0], [], []>, precision = #tpu.contract_precision<fp32>, transpose_lhs_hint = false} : vector<128x128xf32>, vector<128x128xf32>, vector<128x128xf32> -> vector<128x128xf32>
    %convert_element_type3A_16 = arith.truncf %dot_general3A_15 : vector<128x128xf32> to vector<128x128xbf16>
    %swap3A_17 = arith.constant 0 : index
    %swap3A_18 = arith.constant 0 : index
    %swap3A_19 = vector.load %arg6[%swap3A_17, %swap3A_18] : memref<128x128xbf16, #tpu.memory_space<vmem>>, vector<128x128xbf16>
    tpu.vector_store %arg6[%swap3A_17, %swap3A_18], %convert_element_type3A_16 {strides = array<i32>} : memref<128x128xbf16, #tpu.memory_space<vmem>>, vector<128x128xbf16>,
    %get3A_20 = arith.constant 0 : index
    %get3A_21 = arith.constant 0 : index
    %get3A_22 = vector.load %arg2[%get3A_20, %get3A_21] : memref<128x6xf32, #tpu.memory_space<vmem>>, vector<128x6xf32>
    %dot_general3A_23 = arith.constant dense<0.000000e+00> : vector<6x128xf32>
    %dot_general3A_24 = tpu.matmul %get3A_22, %get3A_10, %dot_general3A_23 {dimension_numbers = #tpu.dot_dimension_numbers<[0], [1], [1], [0], [0, 1, 1, 0], [], []>, precision = #tpu.contract_precision<fp32>, transpose_lhs_hint = false} : vector<128x6xf32>, vector<128x128xf32>, vector<6x128xf32> -> vector<6x128xf32>
    %swap3A_25 = arith.constant 0 : index
    %swap3A_26 = arith.constant 0 : index
    %swap3A_27 = vector.load %arg7[%swap3A_25, %swap3A_26] : memref<6x128xf32, #tpu.memory_space<vmem>>, vector<6x128xf32>
    tpu.vector_store %arg7[%swap3A_25, %swap3A_26], %dot_general3A_24 {strides = array<i32>} : memref<6x128xf32, #tpu.memory_space<vmem>>, vector<6x128xf32>,
    %get3A_28 = arith.constant 0 : index
    %get3A_29 = arith.constant 0 : index
    %get3A_30 = vector.load %arg3[%get3A_28, %get3A_29] : memref<1x128xf32, #tpu.memory_space<vmem>>, vector<1x128xf32>
    %dot_general3A_31 = arith.constant dense<0.000000e+00> : vector<1x128xf32>
    %dot_general3A_32 = tpu.matmul %get3A_30, %get3A_10, %dot_general3A_31 {dimension_numbers = #tpu.dot_dimension_numbers<[1], [1], [0], [0], [0, 0, 1, 0], [], []>, precision = #tpu.contract_precision<fp32>, transpose_lhs_hint = false} : vector<1x128xf32>, vector<128x128xf32>, vector<1x128xf32> -> vector<1x128xf32>
    %get3A_33 = arith.constant 0 : index
    %get3A_34 = arith.constant 0 : index
    %get3A_35 = vector.load %arg4[%get3A_33, %get3A_34] : memref<1x128xf32, #tpu.memory_space<vmem>>, vector<1x128xf32>
    %add3A = arith.addf %dot_general3A_32, %get3A_35 : vector<1x128xf32>
    %swap3A_36 = arith.constant 0 : index
    %swap3A_37 = arith.constant 0 : index
    %swap3A_38 = vector.load %arg8[%swap3A_36, %swap3A_37] : memref<1x128xf32, #tpu.memory_space<vmem>>, vector<1x128xf32>
    tpu.vector_store %arg8[%swap3A_36, %swap3A_37], %add3A {strides = array<i32>} : memref<1x128xf32, #tpu.memory_space<vmem>>, vector<1x128xf32>,
    return
  }
}

module attributes {stable_mosaic.version = 14 : i64} {
  func.func @_edge_body(%arg0: i32, %arg1: memref<1x1x12800xi32, #tpu.memory_space<vmem>>, %arg2: memref<1x1x12800xi32, #tpu.memory_space<vmem>>, %arg3: memref<6x12800xf32, #tpu.memory_space<vmem>>, %arg4: memref<1x1x12800xf32, #tpu.memory_space<vmem>>, %arg5: memref<128x128xbf16, #tpu.memory_space<vmem>>, %arg6: memref<128x128xbf16, #tpu.memory_space<vmem>>, %arg7: memref<6x128xf32, #tpu.memory_space<vmem>>, %arg8: memref<1x128xf32, #tpu.memory_space<vmem>>, %arg9: memref<12800x128xf32, #tpu.memory_space<vmem>>, %arg10: memref<6x12800xf32, #tpu.memory_space<vmem>>) attributes {dimension_semantics = [#tpu.dimension_semantics<arbitrary>], iteration_bounds = array<i64: 25>, scalar_prefetch = 0 : i64, scratch_operands = 0 : i64, tpu.core_type = #tpu.core_type<tc>, window_params = [{transform_indices = @transform_0, window_bounds = array<i64: 1, 1, 12800>}, {transform_indices = @transform_1, window_bounds = array<i64: 1, 1, 12800>}, {transform_indices = @transform_2, window_bounds = array<i64: 6, 12800>}, {transform_indices = @transform_3, window_bounds = array<i64: 1, 1, 12800>}, {pipeline_mode = #tpu.pipeline_mode<synchronous>, transform_indices = @transform_4, window_bounds = array<i64: 128, 128>}, {pipeline_mode = #tpu.pipeline_mode<synchronous>, transform_indices = @transform_5, window_bounds = array<i64: 128, 128>}, {pipeline_mode = #tpu.pipeline_mode<synchronous>, transform_indices = @transform_6, window_bounds = array<i64: 6, 128>}, {pipeline_mode = #tpu.pipeline_mode<synchronous>, transform_indices = @transform_7, window_bounds = array<i64: 1, 128>}, {transform_indices = @transform_8, window_bounds = array<i64: 12800, 128>}, {transform_indices = @transform_9, window_bounds = array<i64: 6, 12800>}]} {
    %iota3A = tpu.iota {dimensions = array<i32: 0>} : vector<128x12800xi32>
    %get3A = arith.constant 0 : index
    %get3A_0 = arith.constant 0 : index
    %get3A_1 = arith.constant 0 : index
    %get3A_2 = vector.load %arg1[%get3A, %get3A_0, %get3A_1] : memref<1x1x12800xi32, #tpu.memory_space<vmem>>, vector<1x1x12800xi32>
    %get3A_3 = vector.shape_cast %get3A_2 : vector<1x1x12800xi32> to vector<1x12800xi32>
    %eq3A = vector.broadcast %get3A_3 : vector<1x12800xi32> to vector<128x12800xi32>
    %eq3A_4 = arith.cmpi eq, %iota3A, %eq3A : vector<128x12800xi32>
    %convert_element_type3A = arith.extui %eq3A_4 : vector<128x12800xi1> to vector<128x12800xi32>
    %convert_element_type3A_5 = arith.sitofp %convert_element_type3A : vector<128x12800xi32> to vector<128x12800xf32>
    %convert_element_type3A_6 = arith.truncf %convert_element_type3A_5 : vector<128x12800xf32> to vector<128x12800xbf16>
    %get3A_7 = arith.constant 0 : index
    %get3A_8 = arith.constant 0 : index
    %get3A_9 = vector.load %arg5[%get3A_7, %get3A_8] : memref<128x128xbf16, #tpu.memory_space<vmem>>, vector<128x128xbf16>
    %dot_general3A = arith.constant dense<0.000000e+00> : vector<12800x128xf32>
    %dot_general3A_10 = tpu.matmul %convert_element_type3A_6, %get3A_9, %dot_general3A {dimension_numbers = #tpu.dot_dimension_numbers<[0], [0], [1], [1], [0, 1, 1, 1], [], []>, transpose_lhs_hint = false} : vector<128x12800xbf16>, vector<128x128xbf16>, vector<12800x128xf32> -> vector<12800x128xf32>
    %get3A_11 = arith.constant 0 : index
    %get3A_12 = arith.constant 0 : index
    %get3A_13 = arith.constant 0 : index
    %get3A_14 = vector.load %arg2[%get3A_11, %get3A_12, %get3A_13] : memref<1x1x12800xi32, #tpu.memory_space<vmem>>, vector<1x1x12800xi32>
    %get3A_15 = vector.shape_cast %get3A_14 : vector<1x1x12800xi32> to vector<1x12800xi32>
    %eq3A_16 = vector.broadcast %get3A_15 : vector<1x12800xi32> to vector<128x12800xi32>
    %eq3A_17 = arith.cmpi eq, %iota3A, %eq3A_16 : vector<128x12800xi32>
    %convert_element_type3A_18 = arith.extui %eq3A_17 : vector<128x12800xi1> to vector<128x12800xi32>
    %convert_element_type3A_19 = arith.sitofp %convert_element_type3A_18 : vector<128x12800xi32> to vector<128x12800xf32>
    %convert_element_type3A_20 = arith.truncf %convert_element_type3A_19 : vector<128x12800xf32> to vector<128x12800xbf16>
    %get3A_21 = arith.constant 0 : index
    %get3A_22 = arith.constant 0 : index
    %get3A_23 = vector.load %arg6[%get3A_21, %get3A_22] : memref<128x128xbf16, #tpu.memory_space<vmem>>, vector<128x128xbf16>
    %dot_general3A_24 = arith.constant dense<0.000000e+00> : vector<12800x128xf32>
    %dot_general3A_25 = tpu.matmul %convert_element_type3A_20, %get3A_23, %dot_general3A_24 {dimension_numbers = #tpu.dot_dimension_numbers<[0], [0], [1], [1], [0, 1, 1, 1], [], []>, transpose_lhs_hint = false} : vector<128x12800xbf16>, vector<128x128xbf16>, vector<12800x128xf32> -> vector<12800x128xf32>
    %add3A = arith.addf %dot_general3A_10, %dot_general3A_25 : vector<12800x128xf32>
    %get3A_26 = arith.constant 0 : index
    %get3A_27 = arith.constant 0 : index
    %get3A_28 = vector.load %arg3[%get3A_26, %get3A_27] : memref<6x12800xf32, #tpu.memory_space<vmem>>, vector<6x12800xf32>
    %get3A_29 = arith.constant 0 : index
    %get3A_30 = arith.constant 0 : index
    %get3A_31 = vector.load %arg7[%get3A_29, %get3A_30] : memref<6x128xf32, #tpu.memory_space<vmem>>, vector<6x128xf32>
    %dot_general3A_32 = arith.constant dense<0.000000e+00> : vector<12800x128xf32>
    %dot_general3A_33 = tpu.matmul %get3A_28, %get3A_31, %dot_general3A_32 {dimension_numbers = #tpu.dot_dimension_numbers<[0], [0], [1], [1], [0, 1, 1, 1], [], []>, transpose_lhs_hint = false} : vector<6x12800xf32>, vector<6x128xf32>, vector<12800x128xf32> -> vector<12800x128xf32>
    %add3A_34 = arith.addf %add3A, %dot_general3A_33 : vector<12800x128xf32>
    %get3A_35 = arith.constant 0 : index
    %get3A_36 = arith.constant 0 : index
    %get3A_37 = vector.load %arg8[%get3A_35, %get3A_36] : memref<1x128xf32, #tpu.memory_space<vmem>>, vector<1x128xf32>
    %add3A_38 = vector.broadcast %get3A_37 : vector<1x128xf32> to vector<12800x128xf32>
    %add3A_39 = arith.addf %add3A_34, %add3A_38 : vector<12800x128xf32>
    %swap3A = arith.constant 0 : index
    %swap3A_40 = arith.constant 0 : index
    %swap3A_41 = vector.load %arg9[%swap3A, %swap3A_40] : memref<12800x128xf32, #tpu.memory_space<vmem>>, vector<12800x128xf32>
    tpu.vector_store %arg9[%swap3A, %swap3A_40], %add3A_39 {strides = array<i32>} : memref<12800x128xf32, #tpu.memory_space<vmem>>, vector<12800x128xf32>,
    %get3A_42 = arith.constant 0 : index
    %get3A_43 = arith.constant 0 : index
    %get3A_44 = arith.constant 0 : index
    %get3A_45 = vector.load %arg4[%get3A_42, %get3A_43, %get3A_44] : memref<1x1x12800xf32, #tpu.memory_space<vmem>>, vector<1x1x12800xf32>
    %get3A_46 = vector.shape_cast %get3A_45 : vector<1x1x12800xf32> to vector<1x12800xf32>
    %mul3A = arith.constant 2.000000e-01 : f32
    %mul3A_47 = vector.broadcast %mul3A : f32 to vector<1x12800xf32>
    %mul3A_48 = arith.mulf %get3A_46, %mul3A_47 : vector<1x12800xf32>
    %div3A = arith.constant 1.000000e+00 : f32
    %div3A_49 = vector.broadcast %div3A : f32 to vector<1x12800xf32>
    %div3A_50 = arith.divf %div3A_49, %mul3A_48 : vector<1x12800xf32>
    %mul3A_51 = arith.mulf %mul3A_48, %mul3A_48 : vector<1x12800xf32>
    %mul3A_52 = arith.mulf %mul3A_51, %mul3A_51 : vector<1x12800xf32>
    %mul3A_53 = arith.mulf %mul3A_52, %mul3A_48 : vector<1x12800xf32>
    %mul3A_54 = arith.constant -2.100000e+01 : f32
    %mul3A_55 = vector.broadcast %mul3A_54 : f32 to vector<1x12800xf32>
    %mul3A_56 = arith.mulf %mul3A_55, %mul3A_48 : vector<1x12800xf32>
    %add3A_57 = arith.constant 4.800000e+01 : f32
    %add3A_58 = vector.broadcast %add3A_57 : f32 to vector<1x12800xf32>
    %add3A_59 = arith.addf %add3A_58, %mul3A_56 : vector<1x12800xf32>
    %mul3A_60 = arith.mulf %mul3A_48, %add3A_59 : vector<1x12800xf32>
    %add3A_61 = arith.constant -2.800000e+01 : f32
    %add3A_62 = vector.broadcast %add3A_61 : f32 to vector<1x12800xf32>
    %add3A_63 = arith.addf %add3A_62, %mul3A_60 : vector<1x12800xf32>
    %mul3A_64 = arith.mulf %mul3A_53, %add3A_63 : vector<1x12800xf32>
    %add3A_65 = arith.addf %div3A_50, %mul3A_64 : vector<1x12800xf32>
    %mul3A_66 = arith.mulf %add3A_65, %div3A_50 : vector<1x12800xf32>
    %mul3A_67 = arith.constant 0.632455527 : f32
    %mul3A_68 = vector.broadcast %mul3A_67 : f32 to vector<1x12800xf32>
    %mul3A_69 = arith.mulf %mul3A_66, %mul3A_68 : vector<1x12800xf32>
    %mul3A_70 = arith.constant 3.14159274 : f32
    %mul3A_71 = vector.broadcast %mul3A_70 : f32 to vector<1x12800xf32>
    %mul3A_72 = arith.mulf %mul3A_48, %mul3A_71 : vector<1x12800xf32>
    %sin3A = math.sin %mul3A_72 : vector<1x12800xf32>
    %cos3A = math.cos %mul3A_72 : vector<1x12800xf32>
    %mul3A_73 = arith.constant 2.000000e+00 : f32
    %mul3A_74 = vector.broadcast %mul3A_73 : f32 to vector<1x12800xf32>
    %mul3A_75 = arith.mulf %mul3A_74, %cos3A : vector<1x12800xf32>
    %mul3A_76 = arith.mulf %mul3A_75, %sin3A : vector<1x12800xf32>
    %mul3A_77 = arith.mulf %mul3A_75, %mul3A_76 : vector<1x12800xf32>
    %sub3A = arith.subf %mul3A_77, %sin3A : vector<1x12800xf32>
    %mul3A_78 = arith.mulf %mul3A_75, %sub3A : vector<1x12800xf32>
    %sub3A_79 = arith.subf %mul3A_78, %mul3A_76 : vector<1x12800xf32>
    %mul3A_80 = arith.mulf %mul3A_75, %sub3A_79 : vector<1x12800xf32>
    %sub3A_81 = arith.subf %mul3A_80, %sub3A : vector<1x12800xf32>
    %mul3A_82 = arith.mulf %mul3A_75, %sub3A_81 : vector<1x12800xf32>
    %sub3A_83 = arith.subf %mul3A_82, %sub3A_79 : vector<1x12800xf32>
    %concatenate3A = tpu.concatenate %sin3A, %mul3A_76, %sub3A, %sub3A_79, %sub3A_81, %sub3A_83 in 0 : vector<1x12800xf32>, vector<1x12800xf32>, vector<1x12800xf32>, vector<1x12800xf32>, vector<1x12800xf32>, vector<1x12800xf32> -> vector<6x12800xf32>
    %mul3A_84 = vector.broadcast %mul3A_69 : vector<1x12800xf32> to vector<6x12800xf32>
    %mul3A_85 = arith.mulf %mul3A_84, %concatenate3A : vector<6x12800xf32>
    %swap3A_86 = arith.constant 0 : index
    %swap3A_87 = arith.constant 0 : index
    %swap3A_88 = vector.load %arg10[%swap3A_86, %swap3A_87] : memref<6x12800xf32, #tpu.memory_space<vmem>>, vector<6x12800xf32>
    tpu.vector_store %arg10[%swap3A_86, %swap3A_87], %mul3A_85 {strides = array<i32>} : memref<6x12800xf32, #tpu.memory_space<vmem>>, vector<6x12800xf32>,
    return
  }
  func.func @transform_0(%arg0: i32) -> (i32, i32, i32) {
    %c0_i32 = arith.constant 0 : i32
    %c0_i32_0 = arith.constant 0 : i32
    %c0_i32_1 = arith.constant 0 : i32
    return %arg0, %c0_i32, %c0_i32_0 : i32, i32, i32
  }
  func.func @transform_1(%arg0: i32) -> (i32, i32, i32) {
    %c0_i32 = arith.constant 0 : i32
    %c0_i32_0 = arith.constant 0 : i32
    %c0_i32_1 = arith.constant 0 : i32
    return %arg0, %c0_i32, %c0_i32_0 : i32, i32, i32
  }
  func.func @transform_2(%arg0: i32) -> (i32, i32) {
    %c0_i32 = arith.constant 0 : i32
    %c0_i32_0 = arith.constant 0 : i32
    return %c0_i32, %arg0 : i32, i32
  }
  func.func @transform_3(%arg0: i32) -> (i32, i32, i32) {
    %c0_i32 = arith.constant 0 : i32
    %c0_i32_0 = arith.constant 0 : i32
    %c0_i32_1 = arith.constant 0 : i32
    return %arg0, %c0_i32, %c0_i32_0 : i32, i32, i32
  }
  func.func @transform_4(%arg0: i32) -> (i32, i32) {
    %c0_i32 = arith.constant 0 : i32
    %c0_i32_0 = arith.constant 0 : i32
    %c0_i32_1 = arith.constant 0 : i32
    return %c0_i32, %c0_i32_0 : i32, i32
  }
  func.func @transform_5(%arg0: i32) -> (i32, i32) {
    %c0_i32 = arith.constant 0 : i32
    %c0_i32_0 = arith.constant 0 : i32
    %c0_i32_1 = arith.constant 0 : i32
    return %c0_i32, %c0_i32_0 : i32, i32
  }
  func.func @transform_6(%arg0: i32) -> (i32, i32) {
    %c0_i32 = arith.constant 0 : i32
    %c0_i32_0 = arith.constant 0 : i32
    %c0_i32_1 = arith.constant 0 : i32
    return %c0_i32, %c0_i32_0 : i32, i32
  }
  func.func @transform_7(%arg0: i32) -> (i32, i32) {
    %c0_i32 = arith.constant 0 : i32
    %c0_i32_0 = arith.constant 0 : i32
    %c0_i32_1 = arith.constant 0 : i32
    return %c0_i32, %c0_i32_0 : i32, i32
  }
  func.func @transform_8(%arg0: i32) -> (i32, i32) {
    %c0_i32 = arith.constant 0 : i32
    %c0_i32_0 = arith.constant 0 : i32
    return %arg0, %c0_i32 : i32, i32
  }
  func.func @transform_9(%arg0: i32) -> (i32, i32) {
    %c0_i32 = arith.constant 0 : i32
    %c0_i32_0 = arith.constant 0 : i32
    return %c0_i32, %arg0 : i32, i32
  }
}

</mosaic_0001>

<sc_bundles>
// kernel: kernel.6.cloned.1.call-start
scs
__scs_entry_jumppad:
0x0: {  	(pc) =	sbr.rel $0x88, $3  }
0x1: {  	(tag) =	ssettag $0x0;
	lr =	simm.s32 $0x1  }
0x2: {  	[smem:$0x3F98] =	sst lr;
	_ =	strace $0xD0000000  }
0x3: {  	_ = 	snop  }
0x4: {  	_ = 	snop  }
0x5: {  	_ = 	snop  }
0x6: {  	_ = 	snop  }
0x7: {  	_ = 	snop  }
__scs_overlays_trampoline_lowered:
0x8: {  	[smem:$0x3FA7] =	sst s0  }
0x9: {  	[smem:$0x3FA8] =	sst s1  }
0xa: {  	[smem:$0x3FA9] =	sst s2  }
0xb: {  	[smem:$0x3FAA] =	sst s3  }
0xc: {  	[smem:$0x3FAB] =	sst s4  }
0xd: {  	[smem:$0x3FAC] =	sst s5  }
0xe: {  	[smem:$0x3FAD] =	sst s6  }
0xf: {  	[smem:$0x3FAE] =	sst s7  }
0x10: {  	[smem:$0x3FAF] =	sst s8  }
0x11: {  	[smem:$0x3FB0] =	sst s9;
	s0 =	simm.s32 @!p0 $0x0  }
0x12: {  	s1 =	sld [smem:$0x3F96];
	s0 =	simm.s32 @p0 $0x1  }
0x13: {  	[smem:$0x3FB1] =	sst s0;
	s0 =	simm.s32 @!p1 $0x0  }
0x14: {  	s2 =	sld [smem:$0x3F95];
	s0 =	simm.s32 @p1 $0x1  }
0x15: {  	[smem:$0x3FB2] =	sst s0;
	s0 =	simm.s32 @!p2 $0x0  }
0x16: {  	s3 =	sld [smem:$0x3FDB];
	s0 =	simm.s32 @p2 $0x1  }
0x17: {  	s4 =	simm.s32 $0x1BF5;
	[smem:$0x3FB4] =	sst s0  }
0x18: {  	s0 =	sld [smem:$0x3F97];
	_ =	swait.ge [sflag:s4], $0x0  }
0x19: {  	s7 =	sld [smem:$0x3F98]  }
0x1a: {  	s8 =	sadd.s32 $0xFFFFE003, lr  }
0x1b: {  	s9 =	sadd.s32 $0xFFFFFEF7, lr;
	s5 =	simm.s32 $0xFFFFFFFF;
	p2 =	slt.u32 s8, $0xFFFFF086  }
0x1c: {  	p1 =	slt.u32 s9, $0xF7A;
	s5 =	simm.s32 @!p2 $0x0  }
0x1d: {  	s5 =	simm.s32 @p1 $0x1;
	p0 =	seq.s32 s7, s2  }
0x1e: {  	s7 =	smul.u32 @!p0 $0xF7A, s2;
	p2 =	seq.s32 @!p0 s5, $0x0  }
0x1f: {  	s9 =	smul.u32 $0xF7A, s1;
	s8 =	simm.s32 @!p0 $0x1BF5;
	p2 =	por !p2, p0  }
0x20: {  	[sflag:s8] =	ssyncset.s32 @!p0 $0xFFFFF086;
	s6 =	sadd.s32 @!p0 s3, s7;
	s7 =	simm.s32 @!p0 $0x108  }
0x21: {  	s3 =	sadd.s32 s3, s9;
	s6 =	sadd.s32 @!p0 $0x88, s6;
	s7 =	simm.s32 @p2 $0x1082  }
0x22: {  	[simem:s7], [sflag:s8] =	dma.local @!p0 [hbm:s6], $0xF7A  }
0x23: {  	s9 =	sor.u32 $0xD0000000, s2;
	s6 =	simm.s32 $0x108;
	_ =	swait.ge @!p0 [sflag:s8], $0x0  }
0x24: {  	s3 =	sadd.s32 $0x88, s3;
	s6 =	simm.s32 @!p1 $0x1082;
	[sflag:s4] =	ssyncset.s32 $0xFFFFF086  }
0x25: {  	[simem:s6], [sflag:s4] =	dma.local [hbm:s3], $0xF7A  }
0x26: {  	[smem:$0x3F98] =	sst s1;
	(tag) =	ssettag s2;
	_ =	strace s9  }
0x27: {  	s1 =	sld [smem:$0x3FA8]  }
0x28: {  	s2 =	sld [smem:$0x3FA9]  }
0x29: {  	s4 =	sld [smem:$0x3FAB]  }
0x2a: {  	p0 =	seq.s32 s5, $0x0;
	s5 =	sld [smem:$0x3FAC]  }
0x2b: {  	s6 =	sld [smem:$0x3FAD]  }
0x2c: {  	s7 =	sld [smem:$0x3FAE]  }
0x2d: {  	s3 =	simm.s32 $0x108;
	s8 =	sld [smem:$0x3FAF]  }
0x2e: {  	s3 =	simm.s32 @!p0 $0x1082;
	s9 =	sld [smem:$0x3FB0]  }
0x2f: {  	lr =	sadd.s32 s0, s3;
	s0 =	sld [smem:$0x3FA7]  }
0x30: {  	s3 =	sld [smem:$0x3FAA]  }
0x31: {  	[smem:$0x3FB3] =	sst s10  }
0x32: {  	s10 =	sld [smem:$0x3FB1];
	_ =	sdelay $0x3  }
0x33: {  	p0 =	seq.s32 s10, $0x1;
	s10 =	sld [smem:$0x3FB3];
	_ =	sdelay $0x3  }
0x34: {  	[smem:$0x3FB3] =	sst s10  }
0x35: {  	s10 =	sld [smem:$0x3FB2];
	_ =	sdelay $0x3  }
0x36: {  	p1 =	seq.s32 s10, $0x1;
	s10 =	sld [smem:$0x3FB3];
	_ =	sdelay $0x3  }
0x37: {  	[smem:$0x3FB3] =	sst s10  }
0x38: {  	s10 =	sld [smem:$0x3FB4]  }
0x39: {  	_ = 	snop;
	(pc) =	sbr.ind lr, $3  }
0x3a: {  	_ = 	snop  }
0x3b: {  	_ = 	snop  }
0x3c: {  	p2 =	seq.s32 s10, $0x1;
	s10 =	sld [smem:$0x3FB3]  }
0x3d: {  	_ =	shalt  }
0x3e: {  	_ =	shalt  }
0x3f: {  	_ =	shalt  }
0x40: {  	_ =	shalt  }
0x41: {  	_ =	shalt  }
0x42: {  	_ =	shalt  }
0x43: {  	_ =	shalt  }
0x44: {  	_ =	shalt  }
0x45: {  	_ =	shalt  }
0x46: {  	_ =	shalt  }
0x47: {  	_ =	shalt  }
0x48: {  	_ =	shalt  }
0x49: {  	_ =	shalt  }
0x4a: {  	_ =	shalt  }
0x4b: {  	_ =	shalt  }
0x4c: {  	_ =	shalt  }
0x4d: {  	_ =	shalt  }
0x4e: {  	_ =	shalt  }
0x4f: {  	_ =	shalt  }
0x50: {  	_ =	shalt  }
0x51: {  	_ =	shalt  }
0x52: {  	_ =	shalt  }
0x53: {  	_ =	shalt  }
0x54: {  	_ =	shalt  }
0x55: {  	_ =	shalt  }
0x56: {  	_ =	shalt  }
0x57: {  	_ =	shalt  }
0x58: {  	_ =	shalt  }
0x59: {  	_ =	shalt  }
0x5a: {  	_ =	shalt  }
0x5b: {  	_ =	shalt  }
0x5c: {  	_ =	shalt  }
0x5d: {  	_ =	shalt  }
0x5e: {  	_ =	shalt  }
0x5f: {  	_ =	shalt  }
0x60: {  	_ =	shalt  }
0x61: {  	_ =	shalt  }
0x62: {  	_ =	shalt  }
0x63: {  	_ =	shalt  }
0x64: {  	_ =	shalt  }
0x65: {  	_ =	shalt  }
0x66: {  	_ =	shalt  }
0x67: {  	_ =	shalt  }
0x68: {  	_ =	shalt  }
0x69: {  	_ =	shalt  }
0x6a: {  	_ =	shalt  }
0x6b: {  	_ =	shalt  }
0x6c: {  	_ =	shalt  }
0x6d: {  	_ =	shalt  }
0x6e: {  	_ =	shalt  }
0x6f: {  	_ =	shalt  }
0x70: {  	_ =	shalt  }
0x71: {  	_ =	shalt  }
0x72: {  	_ =	shalt  }
0x73: {  	_ =	shalt  }
0x74: {  	_ =	shalt  }
0x75: {  	_ =	shalt  }
0x76: {  	_ =	shalt  }
0x77: {  	_ =	shalt  }
0x78: {  	_ =	shalt  }
0x79: {  	_ =	shalt  }
0x7a: {  	_ =	shalt  }
0x7b: {  	_ =	shalt  }
0x7c: {  	_ =	shalt  }
0x7d: {  	_ =	shalt  }
0x7e: {  	_ =	shalt  }
0x7f: {  	_ =	shalt  }
0x80: {  	_ =	shalt  }
0x81: {  	_ =	shalt  }
0x82: {  	_ =	shalt  }
0x83: {  	_ =	shalt  }
0x84: {  	_ =	shalt  }
0x85: {  	_ =	shalt  }
0x86: {  	_ =	shalt  }
0x87: {  	_ =	shalt  }
.Lfunc_end0:
.L_simem_size_0:
called_computation_lowered:
.L_overlay_start_0:
0x88: {  	s2 =	sld [smem:$0x3FD9]  }
0x89: {  	s3 =	sld [smem:$0x3FFE];
	_ =	sdelay $0x1  }
0x8a: {  	s1 =	srdreg.scid  }
0x8b: {  	s0 =	sand.u32 $0x1, s1  }
0x8c: {  	s14 =	sshll.u32 s0, $0xA;
	s2 =	sadd.s32 s3, s2  }
0x8d: {  	s2 =	sadd.s32 s2, s14  }
0x8e: {  	[smem:$0x3FBF] =	sst s2  }
0x8f: {  	_ = 	snop  }
0x90: {  	s2 =	sld [smem:$0x3FD0];
	_ =	sdelay $0x2  }
0x91: {  	s4 =	simm.s32 $0xA;
	s5 =	simm.s32 $0x10;
	s15 =	sld [smem:$0x3FC9]  }
0x92: {  	[smem:s5], [sflag:s4] =	dma.local [hbm:s2], $0x1  }
0x93: {  	_ =	swait.eq [sflag:s4], $0x1  }
0x94: {  	[sflag:s4] =	ssyncset.done $0x0  }
0x95: {  	s16 =	sld [smem:$0x11];
	[sflag:s4] =	ssyncadd.s32 $0xFFFFFFFF  }
0x96: {  	s17 =	sld [smem:$0x12];
	(tm) =	ssettm $0x1  }
0x97: {  	s18 =	sld [smem:$0x3FFB];
	_ =	sdelay $0x3  }
0x98: {  	_ =	strace s18  }
0x99: {  	s5 =	sld [smem:$0x3FFC];
	_ =	sdelay $0x3  }
0x9a: {  	_ =	strace s5  }
0x9b: {  	s5 =	sld [smem:$0x3FFD];
	_ =	sdelay $0x3  }
0x9c: {  	_ =	strace s5  }
0x9d: {  	_ =	strace $0x8FFFFFFF  }
0x9e: {  	s19 =	sld [smem:$0x3FDB];
	_ =	sdelay $0x1  }
0x9f: {  	s6 =	simm.s32 $_scs_section_size  }
0xa0: {  	s7 =	simm.s32 $_size__tile_overlayer_lowered;
	s8 =	simm.s32 $_tile_overlayer_lowered  }
0xa1: {  	s22 =	simm.s32 $0x1BFF;
	s21 =	sshll.u32 s8, $0x1;
	s5 =	sadd.s32 s6, s19  }
0xa2: {  	s9 =	simm.s32 $0x0;
	s20 =	sshll.u32 s7, $0x1;
	s7 =	sadd.s32 s21, s5  }
0xa3: {  	[timem:s9], [sflag:s22] =	dma.local [hbm:s7], s20  }
0xa4: {  	_ =	swait.ge [sflag:s22], s20  }
0xa5: {  	s6 =	ssub.s32 $0x0, s20;
	[sflag:s22] =	ssyncset.done $0x0  }
0xa6: {  	[sflag:s22] =	ssyncadd.s32 s6;
	_ =	sdelay $0x1  }
0xa7: {  	s23 =	simm.s32 $0x1B8B  }
0xa8: {  	_ =	swait.ge [sflag:s23], $0x1  }
0xa9: {  	[sflag:s23] =	ssyncset.done $0x0  }
0xaa: {  	s25 =	simm.s32 $0x1B8E;
	s24 =	sld [smem:$0x3FFE];
	[sflag:s23] =	ssyncadd.s32 $0xFFFFFFFF  }
0xab: {  	s26 =	simm.s32 $execute0_lowered;
	[smem:$0x3FD2] =	sst s25  }
0xac: {  	s7 =	sshll.u32 s26, $0x1;
	_ =	strace $0x80000046;
	[dreg:$0x1] =	wrdreg $0xFFFFFFFF  }
0xad: {  	s28 =	simm.s32 $_size_execute0_lowered;
	s5 =	sadd.s32 s5, s7;
	[dreg:$0x0] =	wrdreg $0x0  }
0xae: {  	s7 =	sshll.u32 s28, $0x1;
	[dreg:$0x2] =	wrdreg s5  }
0xaf: {  	[dreg:$0x3] =	wrdreg s7  }
0xb0: {  	[dreg:$0x4] =	wrdreg $0xC0  }
0xb1: {  	_ =	task [dreg:s9], $0x5FFFF  }
0xb2: {  	[dreg:$0x1] =	wrdreg $0xFFFFFFFF  }
0xb3: {  	[dreg:$0x0] =	wrdreg $0x60  }
0xb4: {  	[dreg:$0x2] =	wrdreg s15  }
0xb5: {  	[dreg:$0x3] =	wrdreg s16  }
0xb6: {  	[dreg:$0x4] =	wrdreg s17  }
0xb7: {  	[dreg:$0x5] =	wrdreg s24  }
0xb8: {  	[dreg:$0x6] =	wrdreg $0x9  }
0xb9: {  	_ =	task.clear_ibuf [dreg:s9], $0x7FFFF;
	_ =	strace $0x90000046  }
0xba: {  	s29 =	simm.s32 $0x9;
	_ =	strace $0x80000048  }
0xbb: {  	_ =	swait.ge [sflag:s29], $0x1  }
0xbc: {  	[sflag:s29] =	ssyncadd.s32 $0xFFFFFFFF  }
0xbd: {  	_ =	strace $0x90000048  }
0xbe: {  	_ =	sfence  }
0xbf: {  	s30 =	sld [smem:$0x0];
	_ =	sdelay $0x2  }
0xc0: {  	s31 =	sshll.u32 s1, $0xD;
	s1 =	sshrl.u32 s1, $0x2  }
0xc1: {  	s3 =	sand.u32 $0x4000, s31;
	s1 =	sadd.s32 s1, s30  }
0xc2: {  	s0 =	sor.u32 s3, s0;
	s1 =	sshll.u32 s1, $0x11  }
0xc3: {  	s0 =	sor.u32 s1, s0  }
0xc4: {  	s0 =	sadd.s32 $0x8F2B, s0  }
0xc5: {  	[sflag:s0] =	ssyncadd.remote.s32 $0x1  }
0xc6: {  	_ =	sfence.sel $0xFFFF  }
0xc7: {  	[dreg:$0x0] =	wrdreg $0xFFFFFFFF;
	(pc) =	sbr.abs _section_cstart, $3  }
0xc8: {  	[dreg:$0x1] =	wrdreg $0xFFFFFFFF  }
0xc9: {  	_ =	task.clear_ibuf [dreg:s9], $0x2FFFF;
	_ =	strace $0x9FFFFFFF  }
0xca: {  	(tm) =	ssettm $0x7FFFFFFF  }
0xcb: {  	_ =	shalt  }
tec
execute0_lowered:
.L_overlay_start_1:
0x0: {  	(tag) =	ssettag $0x1  }
0x1: {  	s1 =	rddreg [dreg:$0x0]  }
0x2: {  	s4 =	rddreg [dreg:$0x1]  }
0x3: {  	s5 =	rddreg [dreg:$0x2];
	s2 =	srdreg.scid  }
0x4: {  	s0 =	stileid.u32;
	s6 =	rddreg [dreg:$0x3];
	s3 =	simm.s32 $0x0  }
0x5: {  	s11 =	simm.s32 $0x1;
	s12 =	simm.s32 $0x2;
	s13 =	simm.s32 $0x3  }
0x6: {  	s14 =	simm.s32 $0x7680;
	s7 =	sand.u32 $0x1, s2;
	s8 =	sshll.u32 s0, $0x1  }
0x7: {  	s15 =	simm.s32 $0x9E00;
	s16 =	simm.s32 $0x0;
	s8 =	sor.u32 s7, s8  }
0x8: {  	[smem:$0x7FF] =	sst s3;
	s7 =	ssub.s32 $0x2, s7;
	s8 =	smul.u32 $0x4E2, s8  }
0x9: {  	s2 =	rddreg [dreg:$0x4];
	_ =	strace $0x80000047;
	s9 =	sshrl.u32 s7, $0x1  }
0xa: {  	s9 =	ssub.s32 s7, s9;
	s10 =	sadd.s32 s8, s6;
	s4 =	sadd.s32 s4, s8  }
0xb: {  	s5 =	sadd.s32 s5, s8;
	s8 =	smax.u32 s9, $0x1;
	s9 =	simm.s32 $0x2780  }
0xc: {  	s6 =	sadd.s32 $0xBE00, s10;
	s7 =	sadd.s32 $0x2000, s10;
	s10 =	simm.s32 $0x4F00  }
.LBB2_1:
0xd: {  	[tilespmem:s3], [sflag:$0x1] =	stream.linear.gather [hbm4b:s1+s3], $0x2780, $0x38;
	[tilespmem:$0xC580] =	vst v63  }
0xe: {  	_ = 	snop  }
0xf: {  	[tilespmem:s9], [sflag:$0x2] =	stream.linear.gather [hbm4b:s4+s3], $0x2710, $0x38;
	[tilespmem:$0xC580] =	vst v63  }
0x10: {  	_ = 	snop  }
0x11: {  	[tilespmem:s10], [sflag:$0x3] =	stream.linear.gather [hbm4b:s5+s3], $0x2710, $0x38;
	[tilespmem:$0xC580] =	vst v63  }
0x12: {  	_ =	swait.ge [sflag:s11], $0x2780  }
0x13: {  	[sflag:s11] =	ssyncset.done $0x0  }
0x14: {  	[sflag:s11] =	ssyncadd.s32 $0xFFFFD880  }
0x15: {  	_ =	swait.ge [sflag:s12], $0x2710  }
0x16: {  	[sflag:s12] =	ssyncset.done $0x0  }
0x17: {  	[sflag:s12] =	ssyncadd.s32 $0xFFFFD8F0  }
0x18: {  	_ =	swait.ge [sflag:s13], $0x2710  }
0x19: {  	[sflag:s13] =	ssyncset.done $0x0  }
0x1a: {  	s17 =	simm.s32 $0x27C0;
	[sflag:s13] =	ssyncadd.s32 $0xFFFFD8F0  }
0x1b: {  	v0 =	vld [tilespmem:s17+$0x30]  }
0x1c: {  	v1 =	vld [tilespmem:s17+$0xFFFFFFD0]  }
0x1d: {  	v2 =	vld [tilespmem:s17+$0xFFFFFFE0]  }
0x1e: {  	v3 =	vld [tilespmem:s17+$0xFFFFFFF0]  }
0x1f: {  	v4 =	vld [tilespmem:s17+$0x0]  }
0x20: {  	v5 =	vld [tilespmem:s17+$0x10]  }
0x21: {  	v6 =	vld [tilespmem:s17+$0x20]  }
0x22: {  	v7 =	vld [tilespmem:s17+$0xFFFFFFC0]  }
0x23: {  	v0 =	vld.idx.msk [tilespmem:v0+s3+$0x0], $0xffff  }
0x24: {  	v1 =	vld.idx.msk [tilespmem:v1+s3+$0x0], $0xffff  }
0x25: {  	v2 =	vld.idx.msk [tilespmem:v2+s3+$0x0], $0xffff  }
0x26: {  	v3 =	vld.idx.msk [tilespmem:v3+s3+$0x0], $0xffff  }
0x27: {  	v4 =	vld.idx.msk [tilespmem:v4+s3+$0x0], $0xffff  }
0x28: {  	s17 =	simm.s32 $0x76C0;
	v5 =	vld.idx.msk [tilespmem:v5+s3+$0x0], $0xffff  }
0x29: {  	s18 =	simm.s32 $0x4F40;
	v6 =	vld.idx.msk [tilespmem:v6+s3+$0x0], $0xffff;
	[tilespmem:s17+$0x30] =	vst v0  }
0x2a: {  	v0 =	vld [tilespmem:s18+$0x30]  }
0x2b: {  	[tilespmem:s17+$0xFFFFFFD0] =	vst v1;
	v1 =	vld.idx.msk [tilespmem:v7+s3+$0x0], $0xffff  }
0x2c: {  	[tilespmem:s17+$0xFFFFFFE0] =	vst v2;
	v2 =	vld [tilespmem:s18+$0xFFFFFFD0]  }
0x2d: {  	[tilespmem:s17+$0xFFFFFFF0] =	vst v3;
	v3 =	vld [tilespmem:s18+$0xFFFFFFE0]  }
0x2e: {  	[tilespmem:s17+$0x0] =	vst v4;
	v4 =	vld [tilespmem:s18+$0xFFFFFFF0]  }
0x2f: {  	[tilespmem:s17+$0x10] =	vst v5;
	v5 =	vld [tilespmem:s18+$0x0]  }
0x30: {  	[tilespmem:s17+$0x20] =	vst v6;
	v7 =	vld [tilespmem:s18+$0x10]  }
0x31: {  	v8 =	vld [tilespmem:s18+$0x20]  }
0x32: {  	[tilespmem:s17+$0xFFFFFFC0] =	vst v1;
	v9 =	vld.idx.msk [tilespmem:v0+s3+$0x0], $0xffff  }
0x33: {  	v0 =	vld [tilespmem:s18+$0xFFFFFFC0]  }
0x34: {  	v6 =	vld.idx.msk [tilespmem:v2+s3+$0x0], $0xffff  }
0x35: {  	v3 =	vld.idx.msk [tilespmem:v3+s3+$0x0], $0xffff  }
0x36: {  	v1 =	vld.idx.msk [tilespmem:v4+s3+$0x0], $0xffff  }
0x37: {  	v2 =	vld.idx.msk [tilespmem:v5+s3+$0x0], $0xffff  }
0x38: {  	s19 =	simm.s32 $0x9E40;
	v4 =	vld.idx.msk [tilespmem:v7+s3+$0x0], $0xffff  }
0x39: {  	s21 =	simm.s32 $0x0;
	s22 =	simm.s32 $0x2840;
	s20 =	simm.s32 $0x9E40;
	v5 =	vld.idx.msk [tilespmem:v8+s3+$0x0], $0xffff;
	[tilespmem:s19+$0x30] =	vst v9  }
.LBB2_2:
0x3a: {  	v7 =	vld [tilespmem:s22+$0x30];
	s21 =	sadd.s32 $0x80, s21;
	[tilespmem:s19+$0xFFFFFFD0] =	vst v6  }
0x3b: {  	v6 =	vld [tilespmem:s22+$0xFFFFFFD0];
	p0 =	slt.u32 s21, $0x2680;
	[tilespmem:s19+$0xFFFFFFE0] =	vst v3  }
0x3c: {  	v3 =	vld [tilespmem:s22+$0xFFFFFFE0];
	[tilespmem:s19+$0xFFFFFFF0] =	vst v1  }
0x3d: {  	v1 =	vld [tilespmem:s22+$0xFFFFFFF0];
	[tilespmem:s19+$0x0] =	vst v2  }
0x3e: {  	v2 =	vld [tilespmem:s22+$0x0];
	[tilespmem:s19+$0x10] =	vst v4  }
0x3f: {  	v4 =	vld [tilespmem:s22+$0x10];
	[tilespmem:s19+$0x20] =	vst v5  }
0x40: {  	v5 =	vld [tilespmem:s22+$0x20]  }
0x41: {  	v8 =	vld [tilespmem:s22+$0xFFFFFFC0]  }
0x42: {  	v7 =	vld.idx.msk [tilespmem:v7+s3+$0x0], $0xffff  }
0x43: {  	v6 =	vld.idx.msk [tilespmem:v6+s3+$0x0], $0xffff  }
0x44: {  	v3 =	vld.idx.msk [tilespmem:v3+s3+$0x0], $0xffff  }
0x45: {  	v1 =	vld.idx.msk [tilespmem:v1+s3+$0x0], $0xffff  }
0x46: {  	v2 =	vld.idx.msk [tilespmem:v2+s3+$0x0], $0xffff  }
0x47: {  	s17 =	sadd.s32 $0x80, s17;
	v4 =	vld.idx.msk [tilespmem:v4+s3+$0x0], $0xffff  }
0x48: {  	s18 =	sadd.s32 $0x80, s18;
	v5 =	vld.idx.msk [tilespmem:v5+s3+$0x0], $0xffff;
	[tilespmem:s17+$0x30] =	vst v7  }
0x49: {  	[tilespmem:s17+$0xFFFFFFD0] =	vst v6;
	v6 =	vld [tilespmem:s18+$0x30]  }
0x4a: {  	v7 =	vld.idx.msk [tilespmem:v8+s3+$0x0], $0xffff;
	[tilespmem:s17+$0xFFFFFFE0] =	vst v3  }
0x4b: {  	v3 =	vld [tilespmem:s18+$0xFFFFFFD0];
	[tilespmem:s17+$0xFFFFFFF0] =	vst v1  }
0x4c: {  	v1 =	vld [tilespmem:s18+$0xFFFFFFE0];
	[tilespmem:s17+$0x0] =	vst v2  }
0x4d: {  	v2 =	vld [tilespmem:s18+$0xFFFFFFF0];
	[tilespmem:s17+$0x10] =	vst v4  }
0x4e: {  	v4 =	vld [tilespmem:s18+$0x0];
	[tilespmem:s17+$0x20] =	vst v5  }
0x4f: {  	v5 =	vld [tilespmem:s18+$0x10]  }
0x50: {  	[tilespmem:s17+$0xFFFFFFC0] =	vst v7;
	v7 =	vld [tilespmem:s18+$0x20]  }
0x51: {  	v8 =	vld.idx.msk [tilespmem:v6+s3+$0x0], $0xffff  }
0x52: {  	v9 =	vld [tilespmem:s18+$0xFFFFFFC0]  }
0x53: {  	v10 =	vld.idx.msk [tilespmem:v0+s3+$0x0], $0xffff  }
0x54: {  	v6 =	vld.idx.msk [tilespmem:v3+s3+$0x0], $0xffff  }
.Ltmp0:
0x55: {  	v3 =	vld.idx.msk [tilespmem:v1+s3+$0x0], $0xffff;
	(pc) =	sbr.rel @p0 .LBB2_2-.Ltmp0, $4  }
0x56: {  	s19 =	sadd.s32 $0x80, s19;
	v1 =	vld.idx.msk [tilespmem:v2+s3+$0x0], $0xffff  }
0x57: {  	v2 =	vld.idx.msk [tilespmem:v4+s3+$0x0], $0xffff;
	[tilespmem:s19+$0x30] =	vst v8;
	v0 =	vmov v9  }
0x58: {  	v4 =	vld.idx.msk [tilespmem:v5+s3+$0x0], $0xffff  }
0x59: {  	s22 =	sadd.s32 $0x80, s22;
	v5 =	vld.idx.msk [tilespmem:v7+s3+$0x0], $0xffff;
	[tilespmem:s20+$0xFFFFFFC0] =	vst v10;
	s20 =	smov.u32 s19  }
0x5a: {  	_ =	sdelay $0x2  }
0x5b: {  	[tilespmem:s19+$0xFFFFFFD0] =	vst v6  }
0x5c: {  	[tilespmem:s19+$0xFFFFFFE0] =	vst v3;
	v0 =	vld.idx.msk [tilespmem:v0+s3+$0x0], $0xffff  }
0x5d: {  	[tilespmem:s19+$0xFFFFFFF0] =	vst v1  }
0x5e: {  	[tilespmem:s19+$0x0] =	vst v2  }
0x5f: {  	[tilespmem:s19+$0x10] =	vst v4  }
0x60: {  	[tilespmem:s19+$0x20] =	vst v5  }
0x61: {  	[tilespmem:s20+$0xFFFFFFC0] =	vst v0  }
0x62: {  	v0 =	vld [tilespmem:$0x4E80];
	_ =	sdelay $0x5  }
0x63: {  	v1 =	vld [tilespmem:$0x7600];
	_ =	sdelay $0x1  }
0x64: {  	v0 =	vld.idx.msk [tilespmem:v0+s3+$0x0], $0xffff;
	_ =	sdelay $0x4  }
0x65: {  	[tilespmem:$0x9D80] =	vst v0  }
0x66: {  	v0 =	vld.idx.msk [tilespmem:v1+s3+$0x0], $0xffff;
	_ =	sdelay $0x4  }
0x67: {  	[tilespmem:$0xC500] =	vst v0  }
0x68: {  	[hbm4b:s6+s3] =	stream.linear.scatter [tilespmem:s14], [sflag:$0x2], $0x2710, $0x38;
	[tilespmem:$0xC580] =	vst v63  }
0x69: {  	s16 =	sadd.s32 $0x1, s16  }
0x6a: {  	[hbm4b:s7+s3] =	stream.linear.scatter [tilespmem:s15], [sflag:$0x3], $0x2710, $0x38;
	[tilespmem:$0xC580] =	vst v63  }
0x6b: {  	p0 =	sne.s32 s16, s8;
	_ =	swait.ge [sflag:s12], $0x2710  }
.Ltmp1:
0x6c: {  	[sflag:s12] =	ssyncset.done $0x0;
	(pc) =	sbr.rel @p0 .LBB2_1-.Ltmp1, $4  }
0x6d: {  	[sflag:s12] =	ssyncadd.s32 $0xFFFFD8F0  }
0x6e: {  	_ =	swait.ge [sflag:s13], $0x2710  }
0x6f: {  	[sflag:s13] =	ssyncset.done $0x0  }
0x70: {  	[sflag:s13] =	ssyncadd.s32 $0xFFFFD8F0  }
0x71: {  	_ =	sfence.sel $0x180000  }
0x72: {  	[bflag:$0x0] =	sbarrier.arrive $0xFFFF  }
0x73: {  	p0 =	sne.s32 s0, $0x0;
	_ =	strace $0x90000047  }
0x74: {  	s0 =	sadd.s32 @!p0 $0x100000, s2;
	[bflag:$0x2] =	sbarrier.arrive $0xFFFF  }
0x75: {  	[sflag:s0] =	ssyncadd.tile.s32 @!p0 $0x1;
	_ =	shalt  }
.Lfunc_end2:
_tile_overlayer_lowered:
.L_overlay_start_2:
0x76: {  	(tag) =	ssettag $0x2  }
0x77: {  	s0 =	rddreg [dreg:$0x0];
	s2 =	stileid.u32  }
0x78: {  	s1 =	rddreg [dreg:$0x1];
	p0 =	sne.s32 s2, $0x0  }
0x79: {  	s3 =	rddreg [dreg:$0x2];
	[bflag:$0x3] =	sbarrier.arrive $0xFFFF;
	s2 =	simm.s32 @!p0 $0x1C04  }
0x7a: {  	[timem:s3], [sflag:s2] =	dma.local @!p0 [hbm:s0], s1  }
0x7b: {  	s0 =	simm.s32 @!p0 $0x4  }
0x7c: {  	_ =	swait.ge @!p0 [sflag:s0], s1  }
0x7d: {  	s1 =	ssub.s32 @!p0 $0x0, s1;
	[sflag:s0] =	ssyncset.done @!p0 $0x0  }
0x7e: {  	[sflag:s0] =	ssyncadd.s32 @!p0 s1  }
0x7f: {  	[bflag:$0x3] =	sbarrier.arrive $0xFFFF  }
0x80: {  	_ =	shalt  }

</sc_bundles>
